<compile_context>
chip_gen: v7x
topology: tpu7x:2x2x1
jax: 0.10.2.dev20260603
libtpu: 0.0.44.dev20260713+nightly
codegen_flags: <defaults>
</compile_context>

<pallas_src>
import functools

import jax
import jax.numpy as jnp
from jax import lax
from jax.experimental import pallas as pl
from jax.experimental.pallas import tpu as pltpu
from jax.experimental.pallas import tpu_sc as plsc

R = 8000
LK = 64
W2 = 2 * LK


def _seg_kernel(first_ref, last_ref, feats_ref, ids_ref,
                dw1_ref, db1_ref, dw2_ref, db2_ref,
                cw1_ref, cb1_ref, cw2_ref, cb2_ref, cw3_ref, cb3_ref,
                cw4_ref, cb4_ref, gum_ref, probs_ref, acc_ref, *, nb, k):
    i = pl.program_id(0)

    @pl.when(i == 0)
    def _init():
        acc_ref[...] = jnp.zeros_like(acc_ref)

    def mlp(rows):
        xb = rows.astype(jnp.bfloat16)
        pf = jnp.maximum(jnp.dot(xb, dw1_ref[...], preferred_element_type=jnp.float32)
                         + db1_ref[...], 0.0).astype(jnp.bfloat16)
        return jnp.maximum(jnp.dot(pf, dw2_ref[...], preferred_element_type=jnp.float32)
                           + db2_ref[...], 0.0).astype(jnp.bfloat16)

    ids_row = ids_ref[0]
    first = first_ref[i]
    last = last_ref[i]
    w0 = first // LK
    win0 = pl.multiple_of(w0 * LK, LK)
    fast = last < win0 + W2

    @pl.when(fast)
    def _fast():
        pf_ext = mlp(feats_ref[...])
        io2 = lax.broadcasted_iota(jnp.int32, (W2, R), 0)
        oh = ((ids_row - win0) == io2).astype(jnp.bfloat16)
        part = jnp.dot(oh, pf_ext, preferred_element_type=jnp.float32)
        acc_ref[pl.ds(win0, W2), :] += part

    @pl.when(jnp.logical_not(fast))
    def _slow():
        pf_ext = mlp(feats_ref[...])
        io = lax.broadcasted_iota(jnp.int32, (LK, R), 0)

        def body(w, carry):
            win = pl.multiple_of(w * LK, LK)
            oh = ((ids_row - win) == io).astype(jnp.bfloat16)
            p = jnp.dot(oh, pf_ext, preferred_element_type=jnp.float32)
            acc_ref[pl.ds(win, LK), :] += p
            return carry

        lax.fori_loop(w0, last // LK + 1, body, 0)

    @pl.when(i == nb - 1)
    def _finalize():
        acc = acc_ref[pl.ds(0, k), :]
        means = acc[:, :32] / jnp.maximum(acc[:, 32:], 1.0)
        h = jnp.maximum(jnp.dot(means, cw1_ref[...],
                                preferred_element_type=jnp.float32) + cb1_ref[...], 0.0)
        h = jnp.maximum(jnp.dot(h, cw2_ref[...],
                                preferred_element_type=jnp.float32) + cb2_ref[...], 0.0)
        h = jnp.maximum(jnp.dot(h, cw3_ref[...],
                                preferred_element_type=jnp.float32) + cb3_ref[...], 0.0)
        logits = jnp.dot(h, cw4_ref[...],
                         preferred_element_type=jnp.float32) + cb4_ref[...]
        u = jnp.clip(gum_ref[...], 1e-10, 1.0 - 1e-10)
        z = logits + (-jnp.log(-jnp.log(u)))
        m = jnp.max(z, axis=1, keepdims=True)
        e = jnp.exp(z - m)
        s = jnp.sum(e, axis=1, keepdims=True)
        y0 = e[:, 0:1] / s
        y1 = e[:, 1:2] / s
        hard1 = (y1 > y0).astype(jnp.float32)
        probs_ref[...] = hard1 - y1 + y1


def _cluster_table(firsts, lasts, feats, ids3d, dw1t, db1, dw2t, db2,
                   cw1t, cb1, cw2t, cb2, cw3t, cb3, cw4t, cb4, gum):
    n = feats.shape[0]
    nb = n // R
    k = gum.shape[0]
    full = lambda shp: pl.BlockSpec(shp, lambda i, s=len(shp): (0,) * s)
    smem1 = pl.BlockSpec((nb,), lambda i: (0,), memory_space=pltpu.SMEM)
    return pl.pallas_call(
        functools.partial(_seg_kernel, nb=nb, k=k),
        grid=(nb,),
        in_specs=[
            smem1, smem1,
            pl.BlockSpec((R, 32), lambda i: (i, 0)),
            pl.BlockSpec((1, 1, R), lambda i: (i, 0, 0)),
            full((32, 32)), full((1, 32)), full((32, 64)), full((1, 64)),
            full((32, 32)), full((1, 32)), full((32, 32)), full((1, 32)),
            full((32, 32)), full((1, 32)), full((32, 2)), full((1, 2)),
            full((k, 2)),
        ],
        out_specs=pl.BlockSpec((k, 1), lambda i: (0, 0)),
        out_shape=jax.ShapeDtypeStruct((k, 1), jnp.float32),
        scratch_shapes=[pltpu.VMEM((k + W2, 64), jnp.float32)],
    )(firsts, lasts, feats, ids3d, dw1t, db1, dw2t, db2,
      cw1t, cb1, cw2t, cb2, cw3t, cb3, cw4t, cb4, gum)


def _gather_sc(table, ids_flat):
    n = ids_flat.shape[0]
    k = table.shape[0]
    info = plsc.get_sparse_core_info()
    nw = info.num_cores * info.num_subcores
    pt = n // nw
    mesh = plsc.VectorSubcoreMesh(core_axis_name="c", subcore_axis_name="s")

    @functools.partial(
        pl.kernel, mesh=mesh,
        compiler_params=pltpu.CompilerParams(needs_layout_passes=False),
        out_type=jax.ShapeDtypeStruct((n,), jnp.float32),
        scratch_types=[
            pltpu.VMEM((k,), jnp.float32),
            pltpu.VMEM((pt,), jnp.int32),
            pltpu.VMEM((pt,), jnp.float32),
        ],
    )
    def gk(table_hbm, ids_hbm, out_hbm, tab_v, idx_v, res_v):
        wid = lax.axis_index("s") * info.num_cores + lax.axis_index("c")
        base = wid * pt
        pltpu.sync_copy(table_hbm, tab_v)
        pltpu.sync_copy(ids_hbm.at[pl.ds(base, pt)], idx_v)

        def body(g, carry):
            idx = idx_v[pl.ds(g * 16, 16)]
            res_v[pl.ds(g * 16, 16)] = plsc.load_gather(tab_v, [idx])
            return carry

        lax.fori_loop(0, pt // 16, body, 0)
        pltpu.sync_copy(res_v, out_hbm.at[pl.ds(base, pt)])

    return gk(table, ids_flat)


def kernel(feats, cluster_ids, d_W1, d_b1, d_W2, d_b2,
           c_W1, c_b1, c_W2, c_b2, c_W3, c_b3, c_W4, c_b4, gumbel_u):
    n = feats.shape[0]
    nb = n // R
    bf16 = jnp.bfloat16
    ids_flat = cluster_ids.reshape(n)
    ids3d = ids_flat.reshape(nb, 1, R)
    ids2d = ids_flat.reshape(nb, R)
    w2ext = jnp.concatenate([d_W2.T, jnp.zeros((32, 32), jnp.float32)], axis=1)
    b2ext = jnp.concatenate([d_b2, jnp.ones((32,), jnp.float32)]).reshape(1, 64)
    probs = _cluster_table(
        ids2d[:, 0], ids2d[:, R - 1], feats, ids3d,
        d_W1.T.astype(bf16), d_b1.reshape(1, 32),
        w2ext.astype(bf16), b2ext,
        c_W1.T, c_b1.reshape(1, 32), c_W2.T, c_b2.reshape(1, 32),
        c_W3.T, c_b3.reshape(1, 32), c_W4.T, c_b4.reshape(1, 2),
        gumbel_u)
    out = _gather_sc(probs.reshape(gumbel_u.shape[0]), ids_flat)
    return out.reshape(n, 1)

# --- scband reference (transcript-rebuilt; emitter-appended) ---
"""Pipeline reference for scband-dynamic-cluster-model-26886495273499 (READ-ONLY COPY).

The authoritative reference and input builder live on the scoring server;
editing this copy changes nothing except your own understanding.
"""

import jax, jax.numpy as jnp
import numpy as np

N = 1600000
C = 32
K = 4096

def setup_inputs(seed: int = 0) -> dict:
    key = jax.random.key(seed)
    ks = jax.random.split(key, 20)
    s = 0.05
    inp = {}
    inp['feats'] = jax.random.normal(ks[0], (N, C), dtype=jnp.float32)
    inp['cluster_ids'] = jnp.sort(jax.random.randint(ks[1], (N,), 0, K)).reshape(N, 1).astype(jnp.int32)
    # dynamic MLP: Linear(C,C), ReLU, Linear(C,C), ReLU
    inp['d_W1'] = jax.random.normal(ks[2], (C, C), dtype=jnp.float32) * s
    inp['d_b1'] = jnp.zeros((C,), dtype=jnp.float32)
    inp['d_W2'] = jax.random.normal(ks[3], (C, C), dtype=jnp.float32) * s
    inp['d_b2'] = jnp.zeros((C,), dtype=jnp.float32)
    # cluster MLP: 3x (Linear(C,C)+ReLU), Linear(C,2)
    inp['c_W1'] = jax.random.normal(ks[4], (C, C), dtype=jnp.float32) * s
    inp['c_b1'] = jnp.zeros((C,), dtype=jnp.float32)
    inp['c_W2'] = jax.random.normal(ks[5], (C, C), dtype=jnp.float32) * s
    inp['c_b2'] = jnp.zeros((C,), dtype=jnp.float32)
    inp['c_W3'] = jax.random.normal(ks[6], (C, C), dtype=jnp.float32) * s
    inp['c_b3'] = jnp.zeros((C,), dtype=jnp.float32)
    inp['c_W4'] = jax.random.normal(ks[7], (2, C), dtype=jnp.float32) * s
    inp['c_b4'] = jnp.zeros((2,), dtype=jnp.float32)
    # pre-sampled uniform noise for gumbel softmax (deterministic reference)
    inp['gumbel_u'] = jax.random.uniform(ks[8], (K, 2), dtype=jnp.float32)
    return inp


def reference(feats, cluster_ids, d_W1, d_b1, d_W2, d_b2, c_W1, c_b1, c_W2, c_b2, c_W3, c_b3, c_W4, c_b4, gumbel_u):
    # dynamic MLP on points
    pf = jax.nn.relu(feats @ d_W1.T + d_b1)
    pf = jax.nn.relu(pf @ d_W2.T + d_b2)
    ids = cluster_ids[:, 0]
    k = gumbel_u.shape[0]
    # per-cluster mean (segment reduce); cluster ids 0..K-1 all present whp
    sums = jax.ops.segment_sum(pf, ids, num_segments=k)
    counts = jax.ops.segment_sum(jnp.ones((pf.shape[0], 1), dtype=pf.dtype), ids, num_segments=k)
    cluster_feats = sums / jnp.maximum(counts, 1.0)
    # cluster MLP
    h = jax.nn.relu(cluster_feats @ c_W1.T + c_b1)
    h = jax.nn.relu(h @ c_W2.T + c_b2)
    h = jax.nn.relu(h @ c_W3.T + c_b3)
    logits = h @ c_W4.T + c_b4
    # gumbel softmax, hard=True, tau=1.0
    u = jnp.clip(gumbel_u, 1e-10, 1.0 - 1e-10)
    g = -jnp.log(-jnp.log(u))
    y_soft = jax.nn.softmax(logits + g, axis=-1)
    idx = jnp.argmax(y_soft, axis=-1)
    y_hard = jax.nn.one_hot(idx, 2, dtype=y_soft.dtype)
    cluster_probs = y_hard - jax.lax.stop_gradient(y_soft) + y_soft
    # scatter dynamic weights back to points (gather by cluster id)
    dynamic_weights = cluster_probs[:, 1][ids][:, None]
    return dynamic_weights

if __name__ == "__main__":
    import jax
    _d = setup_inputs()
    print(jax.jit(kernel)(*tuple(_d.values())))

</pallas_src>

<mosaic_0001>
#map = affine_map<(d0, d1) -> (0)>
module attributes {stable_mosaic.version = 14 : i64} {
  func.func @gk(%arg0: i32, %arg1: i32, %arg2: memref<4096xf32, #tpu.memory_space<hbm>>, %arg3: memref<1600000xi32, #tpu.memory_space<hbm>>, %arg4: memref<1600000xf32, #tpu.memory_space<hbm>>, %arg5: memref<4096xf32, #tpu.memory_space<vmem>>, %arg6: memref<50000xi32, #tpu.memory_space<vmem>>, %arg7: memref<50000xf32, #tpu.memory_space<vmem>>) attributes {dimension_semantics = [#tpu.dimension_semantics<core_parallel>, #tpu.dimension_semantics<subcore_parallel>], iteration_bounds = array<i64: 2, 16>, scalar_prefetch = 0 : i64, scratch_operands = 3 : i64, tpu.core_type = #tpu.core_type<sc_vector_subcore>, window_params = [{transform_indices = #map}, {transform_indices = #map}, {transform_indices = #map}]} {
    %mul3A = arith.constant 2 : i32
    %mul3A_0 = arith.muli %arg1, %mul3A : i32
    %add3A = arith.addi %mul3A_0, %arg0 : i32
    %mul3A_1 = arith.constant 50000 : i32
    %mul3A_2 = arith.muli %add3A, %mul3A_1 : i32
    "tpu.region"() ({
      %run_scoped3A = tpu.sem_alloc : memref<!tpu.dma_semaphore, #tpu.memory_space<semaphore_mem>>
      tpu.enqueue_dma source(%arg2 : memref<4096xf32, #tpu.memory_space<hbm>>) target(%arg5 : memref<4096xf32, #tpu.memory_space<vmem>>) target_semaphore(%run_scoped3A : memref<!tpu.dma_semaphore, #tpu.memory_space<semaphore_mem>>)
      tpu.wait_dma2 semaphore(%run_scoped3A : memref<!tpu.dma_semaphore, #tpu.memory_space<semaphore_mem>>) src(%arg2 : memref<4096xf32, #tpu.memory_space<hbm>>) dst(%arg5 : memref<4096xf32, #tpu.memory_space<vmem>>)
      tpu.yield
    }) : () -> ()
    "tpu.region"() ({
      %run_scoped3A = tpu.sem_alloc : memref<!tpu.dma_semaphore, #tpu.memory_space<semaphore_mem>>
      %dma_start3A = tpu.memref_slice %arg3[%mul3A_2] : memref<1600000xi32, #tpu.memory_space<hbm>> -> memref<50000xi32, #tpu.memory_space<hbm>>
      %dma_start3A_8 = tpu.memref_slice %arg3[%mul3A_2] : memref<1600000xi32, #tpu.memory_space<hbm>> -> memref<50000xi32, #tpu.memory_space<hbm>>
      tpu.enqueue_dma source(%dma_start3A_8 : memref<50000xi32, #tpu.memory_space<hbm>>) target(%arg6 : memref<50000xi32, #tpu.memory_space<vmem>>) target_semaphore(%run_scoped3A : memref<!tpu.dma_semaphore, #tpu.memory_space<semaphore_mem>>)
      %dma_wait3A = tpu.memref_slice %arg3[%mul3A_2] : memref<1600000xi32, #tpu.memory_space<hbm>> -> memref<50000xi32, #tpu.memory_space<hbm>>
      %dma_wait3A_9 = tpu.memref_slice %arg3[%mul3A_2] : memref<1600000xi32, #tpu.memory_space<hbm>> -> memref<50000xi32, #tpu.memory_space<hbm>>
      tpu.wait_dma2 semaphore(%run_scoped3A : memref<!tpu.dma_semaphore, #tpu.memory_space<semaphore_mem>>) src(%dma_wait3A_9 : memref<50000xi32, #tpu.memory_space<hbm>>) dst(%arg6 : memref<50000xi32, #tpu.memory_space<vmem>>)
      tpu.yield
    }) : () -> ()
    %scan3A = arith.constant 0 : i32
    %scan3A_3 = arith.constant 0 : i32
    %scan3A_4 = arith.constant 3125 : i32
    %scan3A_5 = arith.addi %scan3A_3, %scan3A_4 : i32
    %scan3A_6 = arith.constant 1 : i32
    scf.for %scan3A_8 = %scan3A_3 to %scan3A_5 step %scan3A_6  : i32 {
      %mul3A_9 = arith.constant 16 : i32
      %mul3A_10 = arith.muli %scan3A_8, %mul3A_9 : i32
      %get3A = arith.index_cast %mul3A_10 : i32 to index
      %get3A_11 = tpu.vector_load %arg6[%get3A] {strides = array<i32>} : memref<50000xi32, #tpu.memory_space<vmem>>, vector<16xi32>,
      %gather3A = tpu.vector_load_idx %arg5[%get3A_11] : memref<4096xf32, #tpu.memory_space<vmem>>[vector<16xi32>], vector<16xf32>,
      %mul3A_12 = arith.constant 16 : i32
      %mul3A_13 = arith.muli %scan3A_8, %mul3A_12 : i32
      %swap3A = arith.index_cast %mul3A_13 : i32 to index
      %swap3A_14 = tpu.vector_load %arg7[%swap3A] {strides = array<i32>} : memref<50000xf32, #tpu.memory_space<vmem>>, vector<16xf32>,
      tpu.vector_store %arg7[%swap3A], %gather3A {strides = array<i32>} : memref<50000xf32, #tpu.memory_space<vmem>>, vector<16xf32>,
    }
    %scan3A_7 = arith.constant 3125 : i32
    "tpu.region"() ({
      %run_scoped3A = tpu.sem_alloc : memref<!tpu.dma_semaphore, #tpu.memory_space<semaphore_mem>>
      %dma_start3A = tpu.memref_slice %arg4[%mul3A_2] : memref<1600000xf32, #tpu.memory_space<hbm>> -> memref<50000xf32, #tpu.memory_space<hbm>>
      %dma_start3A_8 = tpu.memref_slice %arg4[%mul3A_2] : memref<1600000xf32, #tpu.memory_space<hbm>> -> memref<50000xf32, #tpu.memory_space<hbm>>
      tpu.enqueue_dma source(%arg7 : memref<50000xf32, #tpu.memory_space<vmem>>) target(%dma_start3A_8 : memref<50000xf32, #tpu.memory_space<hbm>>) target_semaphore(%run_scoped3A : memref<!tpu.dma_semaphore, #tpu.memory_space<semaphore_mem>>)
      %dma_wait3A = tpu.memref_slice %arg4[%mul3A_2] : memref<1600000xf32, #tpu.memory_space<hbm>> -> memref<50000xf32, #tpu.memory_space<hbm>>
      %dma_wait3A_9 = tpu.memref_slice %arg4[%mul3A_2] : memref<1600000xf32, #tpu.memory_space<hbm>> -> memref<50000xf32, #tpu.memory_space<hbm>>
      tpu.wait_dma2 semaphore(%run_scoped3A : memref<!tpu.dma_semaphore, #tpu.memory_space<semaphore_mem>>) src(%arg7 : memref<50000xf32, #tpu.memory_space<vmem>>) dst(%dma_wait3A_9 : memref<50000xf32, #tpu.memory_space<hbm>>)
      tpu.yield
    }) : () -> ()
    return
  }
}

module attributes {stable_mosaic.version = 14 : i64} {
  func.func @_seg_kernel(%arg0: i32, %arg1: memref<200xi32, #tpu.memory_space<smem>>, %arg2: memref<200xi32, #tpu.memory_space<smem>>, %arg3: memref<8000x32xf32, #tpu.memory_space<vmem>>, %arg4: memref<1x1x8000xi32, #tpu.memory_space<vmem>>, %arg5: memref<32x32xbf16, #tpu.memory_space<vmem>>, %arg6: memref<1x32xf32, #tpu.memory_space<vmem>>, %arg7: memref<32x64xbf16, #tpu.memory_space<vmem>>, %arg8: memref<1x64xf32, #tpu.memory_space<vmem>>, %arg9: memref<32x32xf32, #tpu.memory_space<vmem>>, %arg10: memref<1x32xf32, #tpu.memory_space<vmem>>, %arg11: memref<32x32xf32, #tpu.memory_space<vmem>>, %arg12: memref<1x32xf32, #tpu.memory_space<vmem>>, %arg13: memref<32x32xf32, #tpu.memory_space<vmem>>, %arg14: memref<1x32xf32, #tpu.memory_space<vmem>>, %arg15: memref<32x2xf32, #tpu.memory_space<vmem>>, %arg16: memref<1x2xf32, #tpu.memory_space<vmem>>, %arg17: memref<4096x2xf32, #tpu.memory_space<vmem>>, %arg18: memref<4096x1xf32, #tpu.memory_space<vmem>>, %arg19: memref<4224x64xf32, #tpu.memory_space<vmem>>) attributes {dimension_semantics = [#tpu.dimension_semantics<arbitrary>], iteration_bounds = array<i64: 200>, scalar_prefetch = 0 : i64, scratch_operands = 1 : i64, tpu.core_type = #tpu.core_type<tc>, window_params = [{transform_indices = @transform_0, window_bounds = array<i64: 200>}, {transform_indices = @transform_1, window_bounds = array<i64: 200>}, {transform_indices = @transform_2, window_bounds = array<i64: 8000, 32>}, {transform_indices = @transform_3, window_bounds = array<i64: 1, 1, 8000>}, {pipeline_mode = #tpu.pipeline_mode<synchronous>, transform_indices = @transform_4, window_bounds = array<i64: 32, 32>}, {pipeline_mode = #tpu.pipeline_mode<synchronous>, transform_indices = @transform_5, window_bounds = array<i64: 1, 32>}, {pipeline_mode = #tpu.pipeline_mode<synchronous>, transform_indices = @transform_6, window_bounds = array<i64: 32, 64>}, {pipeline_mode = #tpu.pipeline_mode<synchronous>, transform_indices = @transform_7, window_bounds = array<i64: 1, 64>}, {pipeline_mode = #tpu.pipeline_mode<synchronous>, transform_indices = @transform_8, window_bounds = array<i64: 32, 32>}, {pipeline_mode = #tpu.pipeline_mode<synchronous>, transform_indices = @transform_9, window_bounds = array<i64: 1, 32>}, {pipeline_mode = #tpu.pipeline_mode<synchronous>, transform_indices = @transform_10, window_bounds = array<i64: 32, 32>}, {pipeline_mode = #tpu.pipeline_mode<synchronous>, transform_indices = @transform_11, window_bounds = array<i64: 1, 32>}, {pipeline_mode = #tpu.pipeline_mode<synchronous>, transform_indices = @transform_12, window_bounds = array<i64: 32, 32>}, {pipeline_mode = #tpu.pipeline_mode<synchronous>, transform_indices = @transform_13, window_bounds = array<i64: 1, 32>}, {pipeline_mode = #tpu.pipeline_mode<synchronous>, transform_indices = @transform_14, window_bounds = array<i64: 32, 2>}, {pipeline_mode = #tpu.pipeline_mode<synchronous>, transform_indices = @transform_15, window_bounds = array<i64: 1, 2>}, {pipeline_mode = #tpu.pipeline_mode<synchronous>, transform_indices = @transform_16, window_bounds = array<i64: 4096, 2>}, {pipeline_mode = #tpu.pipeline_mode<synchronous>, transform_indices = @transform_17, window_bounds = array<i64: 4096, 1>}]} {
    %eq3A = arith.constant 0 : i32
    %eq3A_0 = arith.cmpi eq, %arg0, %eq3A : i32
    %convert_element_type3A = arith.extui %eq3A_0 : i1 to i32
    %cond3A = arith.constant 0 : i32
    %cond3A_1 = arith.cmpi ne, %convert_element_type3A, %cond3A : i32
    scf.if %cond3A_1 {
      %broadcast_in_dim3A = arith.constant 0.000000e+00 : f32
      %broadcast_in_dim3A_40 = vector.broadcast %broadcast_in_dim3A : f32 to vector<4224x64xf32>
      %swap3A = arith.constant 0 : index
      %swap3A_41 = arith.constant 0 : index
      %swap3A_42 = vector.load %arg19[%swap3A, %swap3A_41] : memref<4224x64xf32, #tpu.memory_space<vmem>>, vector<4224x64xf32>
      tpu.vector_store %arg19[%swap3A, %swap3A_41], %broadcast_in_dim3A_40 {strides = array<i32>} : memref<4224x64xf32, #tpu.memory_space<vmem>>, vector<4224x64xf32>,
    } else {
    }
    %get3A = arith.constant 0 : index
    %get3A_2 = arith.constant 0 : index
    %get3A_3 = arith.constant 0 : index
    %get3A_4 = vector.load %arg4[%get3A, %get3A_2, %get3A_3] : memref<1x1x8000xi32, #tpu.memory_space<vmem>>, vector<1x1x8000xi32>
    %get3A_5 = vector.shape_cast %get3A_4 : vector<1x1x8000xi32> to vector<1x8000xi32>
    %get3A_6 = arith.index_cast %arg0 : i32 to index
    %get3A_7 = memref.load %arg1[%get3A_6] : memref<200xi32, #tpu.memory_space<smem>>
    %get3A_8 = arith.index_cast %arg0 : i32 to index
    %get3A_9 = memref.load %arg2[%get3A_8] : memref<200xi32, #tpu.memory_space<smem>>
    %jit3A = arith.constant 64 : i32
    %div3A = arith.divsi %get3A_7, %jit3A : i32
    %sign3A = arith.constant 0 : i32
    %sign3A_10 = arith.cmpi sgt, %get3A_7, %sign3A : i32
    %sign3A_11 = arith.extui %sign3A_10 : i1 to i32
    %sign3A_12 = arith.constant 0 : i32
    %sign3A_13 = arith.cmpi slt, %get3A_7, %sign3A_12 : i32
    %sign3A_14 = arith.extui %sign3A_13 : i1 to i32
    %sign3A_15 = arith.subi %sign3A_11, %sign3A_14 : i32
    %sign3A_16 = arith.constant 0 : i32
    %sign3A_17 = arith.cmpi sgt, %jit3A, %sign3A_16 : i32
    %sign3A_18 = arith.extui %sign3A_17 : i1 to i32
    %sign3A_19 = arith.constant 0 : i32
    %sign3A_20 = arith.cmpi slt, %jit3A, %sign3A_19 : i32
    %sign3A_21 = arith.extui %sign3A_20 : i1 to i32
    %sign3A_22 = arith.subi %sign3A_18, %sign3A_21 : i32
    %ne3A = arith.cmpi ne, %sign3A_15, %sign3A_22 : i32
    %rem3A = arith.remsi %get3A_7, %jit3A : i32
    %ne3A_23 = arith.constant 0 : i32
    %ne3A_24 = arith.cmpi ne, %rem3A, %ne3A_23 : i32
    %and3A = arith.andi %ne3A, %ne3A_24 : i1
    %sub3A = arith.constant 1 : i32
    %sub3A_25 = arith.subi %div3A, %sub3A : i32
    %select_n3A = arith.select %and3A, %sub3A_25, %div3A : i32
    %mul3A = arith.constant 64 : i32
    %mul3A_26 = arith.muli %select_n3A, %mul3A : i32
    %multiple_of3A = tpu.assume_multiple %mul3A_26, 64 : i32
    %add3A = arith.constant 128 : i32
    %add3A_27 = arith.addi %multiple_of3A, %add3A : i32
    %lt3A = arith.cmpi slt, %get3A_9, %add3A_27 : i32
    %convert_element_type3A_28 = arith.extui %lt3A : i1 to i32
    %cond3A_29 = arith.constant 0 : i32
    %cond3A_30 = arith.cmpi ne, %convert_element_type3A_28, %cond3A_29 : i32
    scf.if %cond3A_30 {
      %get3A_40 = arith.constant 0 : index
      %get3A_41 = arith.constant 0 : index
      %get3A_42 = vector.load %arg3[%get3A_40, %get3A_41] : memref<8000x32xf32, #tpu.memory_space<vmem>>, vector<8000x32xf32>
      %convert_element_type3A_43 = arith.truncf %get3A_42 : vector<8000x32xf32> to vector<8000x32xbf16>
      %get3A_44 = arith.constant 0 : index
      %get3A_45 = arith.constant 0 : index
      %get3A_46 = vector.load %arg5[%get3A_44, %get3A_45] : memref<32x32xbf16, #tpu.memory_space<vmem>>, vector<32x32xbf16>
      %dot_general3A = arith.constant dense<0.000000e+00> : vector<8000x32xf32>
      %dot_general3A_47 = tpu.matmul %convert_element_type3A_43, %get3A_46, %dot_general3A {dimension_numbers = #tpu.dot_dimension_numbers<[1], [0], [0], [1], [0, 0, 1, 1], [], []>, transpose_lhs_hint = false} : vector<8000x32xbf16>, vector<32x32xbf16>, vector<8000x32xf32> -> vector<8000x32xf32>
      %get3A_48 = arith.constant 0 : index
      %get3A_49 = arith.constant 0 : index
      %get3A_50 = vector.load %arg6[%get3A_48, %get3A_49] : memref<1x32xf32, #tpu.memory_space<vmem>>, vector<1x32xf32>
      %add3A_51 = vector.broadcast %get3A_50 : vector<1x32xf32> to vector<8000x32xf32>
      %add3A_52 = arith.addf %dot_general3A_47, %add3A_51 : vector<8000x32xf32>
      %max3A = arith.constant 0.000000e+00 : f32
      %max3A_53 = vector.broadcast %max3A : f32 to vector<8000x32xf32>
      %max3A_54 = arith.maximumf %add3A_52, %max3A_53 : vector<8000x32xf32>
      %convert_element_type3A_55 = arith.truncf %max3A_54 : vector<8000x32xf32> to vector<8000x32xbf16>
      %get3A_56 = arith.constant 0 : index
      %get3A_57 = arith.constant 0 : index
      %get3A_58 = vector.load %arg7[%get3A_56, %get3A_57] : memref<32x64xbf16, #tpu.memory_space<vmem>>, vector<32x64xbf16>
      %dot_general3A_59 = arith.constant dense<0.000000e+00> : vector<8000x64xf32>
      %dot_general3A_60 = tpu.matmul %convert_element_type3A_55, %get3A_58, %dot_general3A_59 {dimension_numbers = #tpu.dot_dimension_numbers<[1], [0], [0], [1], [0, 0, 1, 1], [], []>, transpose_lhs_hint = false} : vector<8000x32xbf16>, vector<32x64xbf16>, vector<8000x64xf32> -> vector<8000x64xf32>
      %get3A_61 = arith.constant 0 : index
      %get3A_62 = arith.constant 0 : index
      %get3A_63 = vector.load %arg8[%get3A_61, %get3A_62] : memref<1x64xf32, #tpu.memory_space<vmem>>, vector<1x64xf32>
      %add3A_64 = vector.broadcast %get3A_63 : vector<1x64xf32> to vector<8000x64xf32>
      %add3A_65 = arith.addf %dot_general3A_60, %add3A_64 : vector<8000x64xf32>
      %max3A_66 = arith.constant 0.000000e+00 : f32
      %max3A_67 = vector.broadcast %max3A_66 : f32 to vector<8000x64xf32>
      %max3A_68 = arith.maximumf %add3A_65, %max3A_67 : vector<8000x64xf32>
      %convert_element_type3A_69 = arith.truncf %max3A_68 : vector<8000x64xf32> to vector<8000x64xbf16>
      %iota3A = tpu.iota {dimensions = array<i32: 0>} : vector<128x8000xi32>
      %sub3A_70 = vector.broadcast %multiple_of3A : i32 to vector<1x8000xi32>
      %sub3A_71 = arith.subi %get3A_5, %sub3A_70 : vector<1x8000xi32>
      %eq3A_72 = vector.broadcast %sub3A_71 : vector<1x8000xi32> to vector<128x8000xi32>
      %eq3A_73 = arith.cmpi eq, %eq3A_72, %iota3A : vector<128x8000xi32>
      %convert_element_type3A_74 = arith.extui %eq3A_73 : vector<128x8000xi1> to vector<128x8000xi32>
      %convert_element_type3A_75 = arith.sitofp %convert_element_type3A_74 : vector<128x8000xi32> to vector<128x8000xf32>
      %convert_element_type3A_76 = arith.truncf %convert_element_type3A_75 : vector<128x8000xf32> to vector<128x8000xbf16>
      %dot_general3A_77 = arith.constant dense<0.000000e+00> : vector<128x64xf32>
      %dot_general3A_78 = tpu.matmul %convert_element_type3A_76, %convert_element_type3A_69, %dot_general3A_77 {dimension_numbers = #tpu.dot_dimension_numbers<[1], [0], [0], [1], [0, 0, 1, 1], [], []>, transpose_lhs_hint = false} : vector<128x8000xbf16>, vector<8000x64xbf16>, vector<128x64xf32> -> vector<128x64xf32>
      %get3A_79 = arith.index_cast %multiple_of3A : i32 to index
      %get3A_80 = arith.constant 0 : index
      %get3A_81 = vector.load %arg19[%get3A_79, %get3A_80] : memref<4224x64xf32, #tpu.memory_space<vmem>>, vector<128x64xf32>
      %add3A_82 = arith.addf %get3A_81, %dot_general3A_78 : vector<128x64xf32>
      %swap3A = arith.index_cast %multiple_of3A : i32 to index
      %swap3A_83 = arith.constant 0 : index
      %swap3A_84 = vector.load %arg19[%swap3A, %swap3A_83] : memref<4224x64xf32, #tpu.memory_space<vmem>>, vector<128x64xf32>
      tpu.vector_store %arg19[%swap3A, %swap3A_83], %add3A_82 {strides = array<i32>} : memref<4224x64xf32, #tpu.memory_space<vmem>>, vector<128x64xf32>,
    } else {
    }
    %not3A = arith.constant true
    %not3A_31 = arith.xori %lt3A, %not3A : i1
    %convert_element_type3A_32 = arith.extui %not3A_31 : i1 to i32
    %cond3A_33 = arith.constant 0 : i32
    %cond3A_34 = arith.cmpi ne, %convert_element_type3A_32, %cond3A_33 : i32
    scf.if %cond3A_34 {
      %get3A_40 = arith.constant 0 : index
      %get3A_41 = arith.constant 0 : index
      %get3A_42 = vector.load %arg3[%get3A_40, %get3A_41] : memref<8000x32xf32, #tpu.memory_space<vmem>>, vector<8000x32xf32>
      %convert_element_type3A_43 = arith.truncf %get3A_42 : vector<8000x32xf32> to vector<8000x32xbf16>
      %get3A_44 = arith.constant 0 : index
      %get3A_45 = arith.constant 0 : index
      %get3A_46 = vector.load %arg5[%get3A_44, %get3A_45] : memref<32x32xbf16, #tpu.memory_space<vmem>>, vector<32x32xbf16>
      %dot_general3A = arith.constant dense<0.000000e+00> : vector<8000x32xf32>
      %dot_general3A_47 = tpu.matmul %convert_element_type3A_43, %get3A_46, %dot_general3A {dimension_numbers = #tpu.dot_dimension_numbers<[1], [0], [0], [1], [0, 0, 1, 1], [], []>, transpose_lhs_hint = false} : vector<8000x32xbf16>, vector<32x32xbf16>, vector<8000x32xf32> -> vector<8000x32xf32>
      %get3A_48 = arith.constant 0 : index
      %get3A_49 = arith.constant 0 : index
      %get3A_50 = vector.load %arg6[%get3A_48, %get3A_49] : memref<1x32xf32, #tpu.memory_space<vmem>>, vector<1x32xf32>
      %add3A_51 = vector.broadcast %get3A_50 : vector<1x32xf32> to vector<8000x32xf32>
      %add3A_52 = arith.addf %dot_general3A_47, %add3A_51 : vector<8000x32xf32>
      %max3A = arith.constant 0.000000e+00 : f32
      %max3A_53 = vector.broadcast %max3A : f32 to vector<8000x32xf32>
      %max3A_54 = arith.maximumf %add3A_52, %max3A_53 : vector<8000x32xf32>
      %convert_element_type3A_55 = arith.truncf %max3A_54 : vector<8000x32xf32> to vector<8000x32xbf16>
      %get3A_56 = arith.constant 0 : index
      %get3A_57 = arith.constant 0 : index
      %get3A_58 = vector.load %arg7[%get3A_56, %get3A_57] : memref<32x64xbf16, #tpu.memory_space<vmem>>, vector<32x64xbf16>
      %dot_general3A_59 = arith.constant dense<0.000000e+00> : vector<8000x64xf32>
      %dot_general3A_60 = tpu.matmul %convert_element_type3A_55, %get3A_58, %dot_general3A_59 {dimension_numbers = #tpu.dot_dimension_numbers<[1], [0], [0], [1], [0, 0, 1, 1], [], []>, transpose_lhs_hint = false} : vector<8000x32xbf16>, vector<32x64xbf16>, vector<8000x64xf32> -> vector<8000x64xf32>
      %get3A_61 = arith.constant 0 : index
      %get3A_62 = arith.constant 0 : index
      %get3A_63 = vector.load %arg8[%get3A_61, %get3A_62] : memref<1x64xf32, #tpu.memory_space<vmem>>, vector<1x64xf32>
      %add3A_64 = vector.broadcast %get3A_63 : vector<1x64xf32> to vector<8000x64xf32>
      %add3A_65 = arith.addf %dot_general3A_60, %add3A_64 : vector<8000x64xf32>
      %max3A_66 = arith.constant 0.000000e+00 : f32
      %max3A_67 = vector.broadcast %max3A_66 : f32 to vector<8000x64xf32>
      %max3A_68 = arith.maximumf %add3A_65, %max3A_67 : vector<8000x64xf32>
      %convert_element_type3A_69 = arith.truncf %max3A_68 : vector<8000x64xf32> to vector<8000x64xbf16>
      %iota3A = tpu.iota {dimensions = array<i32: 0>} : vector<64x8000xi32>
      %jit3A_70 = arith.constant 64 : i32
      %div3A_71 = arith.divsi %get3A_9, %jit3A_70 : i32
      %sign3A_72 = arith.constant 0 : i32
      %sign3A_73 = arith.cmpi sgt, %get3A_9, %sign3A_72 : i32
      %sign3A_74 = arith.extui %sign3A_73 : i1 to i32
      %sign3A_75 = arith.constant 0 : i32
      %sign3A_76 = arith.cmpi slt, %get3A_9, %sign3A_75 : i32
      %sign3A_77 = arith.extui %sign3A_76 : i1 to i32
      %sign3A_78 = arith.subi %sign3A_74, %sign3A_77 : i32
      %sign3A_79 = arith.constant 0 : i32
      %sign3A_80 = arith.cmpi sgt, %jit3A_70, %sign3A_79 : i32
      %sign3A_81 = arith.extui %sign3A_80 : i1 to i32
      %sign3A_82 = arith.constant 0 : i32
      %sign3A_83 = arith.cmpi slt, %jit3A_70, %sign3A_82 : i32
      %sign3A_84 = arith.extui %sign3A_83 : i1 to i32
      %sign3A_85 = arith.subi %sign3A_81, %sign3A_84 : i32
      %ne3A_86 = arith.cmpi ne, %sign3A_78, %sign3A_85 : i32
      %rem3A_87 = arith.remsi %get3A_9, %jit3A_70 : i32
      %ne3A_88 = arith.constant 0 : i32
      %ne3A_89 = arith.cmpi ne, %rem3A_87, %ne3A_88 : i32
      %and3A_90 = arith.andi %ne3A_86, %ne3A_89 : i1
      %sub3A_91 = arith.constant 1 : i32
      %sub3A_92 = arith.subi %div3A_71, %sub3A_91 : i32
      %select_n3A_93 = arith.select %and3A_90, %sub3A_92, %div3A_71 : i32
      %add3A_94 = arith.constant 1 : i32
      %add3A_95 = arith.addi %select_n3A_93, %add3A_94 : i32
      %while3A = arith.constant 0 : i32
      %while3A_96 = arith.subi %add3A_95, %select_n3A : i32
      %while3A_97 = arith.addi %select_n3A, %while3A_96 : i32
      %while3A_98 = arith.constant 1 : i32
      %while3A_99 = arith.divsi %while3A_96, %while3A_98 : i32
      %while3A_100 = arith.muli %while3A_99, %while3A_98 : i32
      %while3A_101 = arith.addi %select_n3A, %while3A_100 : i32
      %while3A_102 = arith.constant 1 : i32
      scf.for %while3A_104 = %select_n3A to %while3A_101 step %while3A_102  : i32 {
        %mul3A_105 = arith.constant 64 : i32
        %mul3A_106 = arith.muli %while3A_104, %mul3A_105 : i32
        %multiple_of3A_107 = tpu.assume_multiple %mul3A_106, 64 : i32
        %sub3A_108 = vector.broadcast %multiple_of3A_107 : i32 to vector<1x8000xi32>
        %sub3A_109 = arith.subi %get3A_5, %sub3A_108 : vector<1x8000xi32>
        %eq3A_110 = vector.broadcast %sub3A_109 : vector<1x8000xi32> to vector<64x8000xi32>
        %eq3A_111 = arith.cmpi eq, %eq3A_110, %iota3A : vector<64x8000xi32>
        %convert_element_type3A_112 = arith.extui %eq3A_111 : vector<64x8000xi1> to vector<64x8000xi32>
        %convert_element_type3A_113 = arith.sitofp %convert_element_type3A_112 : vector<64x8000xi32> to vector<64x8000xf32>
        %convert_element_type3A_114 = arith.truncf %convert_element_type3A_113 : vector<64x8000xf32> to vector<64x8000xbf16>
        %dot_general3A_115 = arith.constant dense<0.000000e+00> : vector<64x64xf32>
        %dot_general3A_116 = tpu.matmul %convert_element_type3A_114, %convert_element_type3A_69, %dot_general3A_115 {dimension_numbers = #tpu.dot_dimension_numbers<[1], [0], [0], [1], [0, 0, 1, 1], [], []>, transpose_lhs_hint = false} : vector<64x8000xbf16>, vector<8000x64xbf16>, vector<64x64xf32> -> vector<64x64xf32>
        %get3A_117 = arith.index_cast %multiple_of3A_107 : i32 to index
        %get3A_118 = arith.constant 0 : index
        %get3A_119 = vector.load %arg19[%get3A_117, %get3A_118] : memref<4224x64xf32, #tpu.memory_space<vmem>>, vector<64x64xf32>
        %add3A_120 = arith.addf %get3A_119, %dot_general3A_116 : vector<64x64xf32>
        %swap3A = arith.index_cast %multiple_of3A_107 : i32 to index
        %swap3A_121 = arith.constant 0 : index
        %swap3A_122 = vector.load %arg19[%swap3A, %swap3A_121] : memref<4224x64xf32, #tpu.memory_space<vmem>>, vector<64x64xf32>
        tpu.vector_store %arg19[%swap3A, %swap3A_121], %add3A_120 {strides = array<i32>} : memref<4224x64xf32, #tpu.memory_space<vmem>>, vector<64x64xf32>,
      }
      %while3A_103 = arith.constant 1 : i32
      scf.for %while3A_104 = %while3A_101 to %while3A_97 step %while3A_103  : i32 {
        %mul3A_105 = arith.constant 64 : i32
        %mul3A_106 = arith.muli %while3A_104, %mul3A_105 : i32
        %multiple_of3A_107 = tpu.assume_multiple %mul3A_106, 64 : i32
        %sub3A_108 = vector.broadcast %multiple_of3A_107 : i32 to vector<1x8000xi32>
        %sub3A_109 = arith.subi %get3A_5, %sub3A_108 : vector<1x8000xi32>
        %eq3A_110 = vector.broadcast %sub3A_109 : vector<1x8000xi32> to vector<64x8000xi32>
        %eq3A_111 = arith.cmpi eq, %eq3A_110, %iota3A : vector<64x8000xi32>
        %convert_element_type3A_112 = arith.extui %eq3A_111 : vector<64x8000xi1> to vector<64x8000xi32>
        %convert_element_type3A_113 = arith.sitofp %convert_element_type3A_112 : vector<64x8000xi32> to vector<64x8000xf32>
        %convert_element_type3A_114 = arith.truncf %convert_element_type3A_113 : vector<64x8000xf32> to vector<64x8000xbf16>
        %dot_general3A_115 = arith.constant dense<0.000000e+00> : vector<64x64xf32>
        %dot_general3A_116 = tpu.matmul %convert_element_type3A_114, %convert_element_type3A_69, %dot_general3A_115 {dimension_numbers = #tpu.dot_dimension_numbers<[1], [0], [0], [1], [0, 0, 1, 1], [], []>, transpose_lhs_hint = false} : vector<64x8000xbf16>, vector<8000x64xbf16>, vector<64x64xf32> -> vector<64x64xf32>
        %get3A_117 = arith.index_cast %multiple_of3A_107 : i32 to index
        %get3A_118 = arith.constant 0 : index
        %get3A_119 = vector.load %arg19[%get3A_117, %get3A_118] : memref<4224x64xf32, #tpu.memory_space<vmem>>, vector<64x64xf32>
        %add3A_120 = arith.addf %get3A_119, %dot_general3A_116 : vector<64x64xf32>
        %swap3A = arith.index_cast %multiple_of3A_107 : i32 to index
        %swap3A_121 = arith.constant 0 : index
        %swap3A_122 = vector.load %arg19[%swap3A, %swap3A_121] : memref<4224x64xf32, #tpu.memory_space<vmem>>, vector<64x64xf32>
        tpu.vector_store %arg19[%swap3A, %swap3A_121], %add3A_120 {strides = array<i32>} : memref<4224x64xf32, #tpu.memory_space<vmem>>, vector<64x64xf32>,
      }
    } else {
    }
    %eq3A_35 = arith.constant 199 : i32
    %eq3A_36 = arith.cmpi eq, %arg0, %eq3A_35 : i32
    %convert_element_type3A_37 = arith.extui %eq3A_36 : i1 to i32
    %cond3A_38 = arith.constant 0 : i32
    %cond3A_39 = arith.cmpi ne, %convert_element_type3A_37, %cond3A_38 : i32
    scf.if %cond3A_39 {
      %get3A_40 = arith.constant 0 : index
      %get3A_41 = arith.constant 0 : index
      %get3A_42 = vector.load %arg19[%get3A_40, %get3A_41] : memref<4224x64xf32, #tpu.memory_space<vmem>>, vector<4096x64xf32>
      %slice3A = vector.extract_strided_slice %get3A_42 {offsets = [0, 0], sizes = [4096, 32], strides = [1, 1]} : vector<4096x64xf32> to vector<4096x32xf32>
      %slice3A_43 = vector.extract_strided_slice %get3A_42 {offsets = [0, 32], sizes = [4096, 32], strides = [1, 1]} : vector<4096x64xf32> to vector<4096x32xf32>
      %max3A = arith.constant 1.000000e+00 : f32
      %max3A_44 = vector.broadcast %max3A : f32 to vector<4096x32xf32>
      %max3A_45 = arith.maximumf %slice3A_43, %max3A_44 : vector<4096x32xf32>
      %div3A_46 = arith.divf %slice3A, %max3A_45 : vector<4096x32xf32>
      %get3A_47 = arith.constant 0 : index
      %get3A_48 = arith.constant 0 : index
      %get3A_49 = vector.load %arg9[%get3A_47, %get3A_48] : memref<32x32xf32, #tpu.memory_space<vmem>>, vector<32x32xf32>
      %dot_general3A = arith.constant dense<0.000000e+00> : vector<4096x32xf32>
      %dot_general3A_50 = tpu.matmul %div3A_46, %get3A_49, %dot_general3A {dimension_numbers = #tpu.dot_dimension_numbers<[1], [0], [0], [1], [0, 0, 1, 1], [], []>, transpose_lhs_hint = false} : vector<4096x32xf32>, vector<32x32xf32>, vector<4096x32xf32> -> vector<4096x32xf32>
      %get3A_51 = arith.constant 0 : index
      %get3A_52 = arith.constant 0 : index
      %get3A_53 = vector.load %arg10[%get3A_51, %get3A_52] : memref<1x32xf32, #tpu.memory_space<vmem>>, vector<1x32xf32>
      %add3A_54 = vector.broadcast %get3A_53 : vector<1x32xf32> to vector<4096x32xf32>
      %add3A_55 = arith.addf %dot_general3A_50, %add3A_54 : vector<4096x32xf32>
      %max3A_56 = arith.constant 0.000000e+00 : f32
      %max3A_57 = vector.broadcast %max3A_56 : f32 to vector<4096x32xf32>
      %max3A_58 = arith.maximumf %add3A_55, %max3A_57 : vector<4096x32xf32>
      %get3A_59 = arith.constant 0 : index
      %get3A_60 = arith.constant 0 : index
      %get3A_61 = vector.load %arg11[%get3A_59, %get3A_60] : memref<32x32xf32, #tpu.memory_space<vmem>>, vector<32x32xf32>
      %dot_general3A_62 = arith.constant dense<0.000000e+00> : vector<4096x32xf32>
      %dot_general3A_63 = tpu.matmul %max3A_58, %get3A_61, %dot_general3A_62 {dimension_numbers = #tpu.dot_dimension_numbers<[1], [0], [0], [1], [0, 0, 1, 1], [], []>, transpose_lhs_hint = false} : vector<4096x32xf32>, vector<32x32xf32>, vector<4096x32xf32> -> vector<4096x32xf32>
      %get3A_64 = arith.constant 0 : index
      %get3A_65 = arith.constant 0 : index
      %get3A_66 = vector.load %arg12[%get3A_64, %get3A_65] : memref<1x32xf32, #tpu.memory_space<vmem>>, vector<1x32xf32>
      %add3A_67 = vector.broadcast %get3A_66 : vector<1x32xf32> to vector<4096x32xf32>
      %add3A_68 = arith.addf %dot_general3A_63, %add3A_67 : vector<4096x32xf32>
      %max3A_69 = arith.constant 0.000000e+00 : f32
      %max3A_70 = vector.broadcast %max3A_69 : f32 to vector<4096x32xf32>
      %max3A_71 = arith.maximumf %add3A_68, %max3A_70 : vector<4096x32xf32>
      %get3A_72 = arith.constant 0 : index
      %get3A_73 = arith.constant 0 : index
      %get3A_74 = vector.load %arg13[%get3A_72, %get3A_73] : memref<32x32xf32, #tpu.memory_space<vmem>>, vector<32x32xf32>
      %dot_general3A_75 = arith.constant dense<0.000000e+00> : vector<4096x32xf32>
      %dot_general3A_76 = tpu.matmul %max3A_71, %get3A_74, %dot_general3A_75 {dimension_numbers = #tpu.dot_dimension_numbers<[1], [0], [0], [1], [0, 0, 1, 1], [], []>, transpose_lhs_hint = false} : vector<4096x32xf32>, vector<32x32xf32>, vector<4096x32xf32> -> vector<4096x32xf32>
      %get3A_77 = arith.constant 0 : index
      %get3A_78 = arith.constant 0 : index
      %get3A_79 = vector.load %arg14[%get3A_77, %get3A_78] : memref<1x32xf32, #tpu.memory_space<vmem>>, vector<1x32xf32>
      %add3A_80 = vector.broadcast %get3A_79 : vector<1x32xf32> to vector<4096x32xf32>
      %add3A_81 = arith.addf %dot_general3A_76, %add3A_80 : vector<4096x32xf32>
      %max3A_82 = arith.constant 0.000000e+00 : f32
      %max3A_83 = vector.broadcast %max3A_82 : f32 to vector<4096x32xf32>
      %max3A_84 = arith.maximumf %add3A_81, %max3A_83 : vector<4096x32xf32>
      %get3A_85 = arith.constant 0 : index
      %get3A_86 = arith.constant 0 : index
      %get3A_87 = vector.load %arg15[%get3A_85, %get3A_86] : memref<32x2xf32, #tpu.memory_space<vmem>>, vector<32x2xf32>
      %dot_general3A_88 = arith.constant dense<0.000000e+00> : vector<4096x2xf32>
      %dot_general3A_89 = tpu.matmul %max3A_84, %get3A_87, %dot_general3A_88 {dimension_numbers = #tpu.dot_dimension_numbers<[1], [0], [0], [1], [0, 0, 1, 1], [], []>, transpose_lhs_hint = false} : vector<4096x32xf32>, vector<32x2xf32>, vector<4096x2xf32> -> vector<4096x2xf32>
      %get3A_90 = arith.constant 0 : index
      %get3A_91 = arith.constant 0 : index
      %get3A_92 = vector.load %arg16[%get3A_90, %get3A_91] : memref<1x2xf32, #tpu.memory_space<vmem>>, vector<1x2xf32>
      %add3A_93 = vector.broadcast %get3A_92 : vector<1x2xf32> to vector<4096x2xf32>
      %add3A_94 = arith.addf %dot_general3A_89, %add3A_93 : vector<4096x2xf32>
      %get3A_95 = arith.constant 0 : index
      %get3A_96 = arith.constant 0 : index
      %get3A_97 = vector.load %arg17[%get3A_95, %get3A_96] : memref<4096x2xf32, #tpu.memory_space<vmem>>, vector<4096x2xf32>
      %jit3A_98 = arith.constant 1.000000e-10 : f32
      %jit3A_99 = arith.constant 1.000000e+00 : f32
      %max3A_100 = vector.broadcast %jit3A_98 : f32 to vector<4096x2xf32>
      %max3A_101 = arith.maximumf %max3A_100, %get3A_97 : vector<4096x2xf32>
      %min3A = vector.broadcast %jit3A_99 : f32 to vector<4096x2xf32>
      %min3A_102 = arith.minimumf %min3A, %max3A_101 : vector<4096x2xf32>
      %log3A = math.log %min3A_102 : vector<4096x2xf32>
      %neg3A = arith.constant 0.000000e+00 : f32
      %neg3A_103 = vector.broadcast %neg3A : f32 to vector<4096x2xf32>
      %neg3A_104 = arith.subf %neg3A_103, %log3A : vector<4096x2xf32>
      %log3A_105 = math.log %neg3A_104 : vector<4096x2xf32>
      %neg3A_106 = arith.constant 0.000000e+00 : f32
      %neg3A_107 = vector.broadcast %neg3A_106 : f32 to vector<4096x2xf32>
      %neg3A_108 = arith.subf %neg3A_107, %log3A_105 : vector<4096x2xf32>
      %add3A_109 = arith.addf %add3A_94, %neg3A_108 : vector<4096x2xf32>
      %reduce_max3A = arith.constant dense<0xFF800000> : vector<4096xf32>
      %reduce_max3A_110 = vector.multi_reduction <maximumf>, %add3A_109, %reduce_max3A [1] : vector<4096x2xf32> to vector<4096xf32>
      %broadcast_in_dim3A = vector.shape_cast %reduce_max3A_110 : vector<4096xf32> to vector<4096x1xf32>
      %sub3A_111 = vector.broadcast %broadcast_in_dim3A : vector<4096x1xf32> to vector<4096x2xf32>
      %sub3A_112 = arith.subf %add3A_109, %sub3A_111 : vector<4096x2xf32>
      %exp3A = math.exp %sub3A_112 : vector<4096x2xf32>
      %reduce_sum3A = arith.constant dense<0.000000e+00> : vector<4096xf32>
      %reduce_sum3A_113 = vector.multi_reduction <add>, %exp3A, %reduce_sum3A [1] : vector<4096x2xf32> to vector<4096xf32>
      %broadcast_in_dim3A_114 = vector.shape_cast %reduce_sum3A_113 : vector<4096xf32> to vector<4096x1xf32>
      %slice3A_115 = vector.extract_strided_slice %exp3A {offsets = [0, 0], sizes = [4096, 1], strides = [1, 1]} : vector<4096x2xf32> to vector<4096x1xf32>
      %div3A_116 = arith.divf %slice3A_115, %broadcast_in_dim3A_114 : vector<4096x1xf32>
      %slice3A_117 = vector.extract_strided_slice %exp3A {offsets = [0, 1], sizes = [4096, 1], strides = [1, 1]} : vector<4096x2xf32> to vector<4096x1xf32>
      %div3A_118 = arith.divf %slice3A_117, %broadcast_in_dim3A_114 : vector<4096x1xf32>
      %gt3A = arith.cmpf ogt, %div3A_118, %div3A_116 : vector<4096x1xf32>
      %convert_element_type3A_119 = arith.extui %gt3A : vector<4096x1xi1> to vector<4096x1xi32>
      %convert_element_type3A_120 = arith.sitofp %convert_element_type3A_119 : vector<4096x1xi32> to vector<4096x1xf32>
      %sub3A_121 = arith.subf %convert_element_type3A_120, %div3A_118 : vector<4096x1xf32>
      %add3A_122 = arith.addf %sub3A_121, %div3A_118 : vector<4096x1xf32>
      %swap3A = arith.constant 0 : index
      %swap3A_123 = arith.constant 0 : index
      %swap3A_124 = vector.load %arg18[%swap3A, %swap3A_123] : memref<4096x1xf32, #tpu.memory_space<vmem>>, vector<4096x1xf32>
      tpu.vector_store %arg18[%swap3A, %swap3A_123], %add3A_122 {strides = array<i32>} : memref<4096x1xf32, #tpu.memory_space<vmem>>, vector<4096x1xf32>,
    } else {
    }
    return
  }
  func.func @transform_0(%arg0: i32) -> i32 {
    %c0_i32 = arith.constant 0 : i32
    %c0_i32_0 = arith.constant 0 : i32
    return %c0_i32 : i32
  }
  func.func @transform_1(%arg0: i32) -> i32 {
    %c0_i32 = arith.constant 0 : i32
    %c0_i32_0 = arith.constant 0 : i32
    return %c0_i32 : i32
  }
  func.func @transform_2(%arg0: i32) -> (i32, i32) {
    %c0_i32 = arith.constant 0 : i32
    %c0_i32_0 = arith.constant 0 : i32
    return %arg0, %c0_i32 : i32, i32
  }
  func.func @transform_3(%arg0: i32) -> (i32, i32, i32) {
    %c0_i32 = arith.constant 0 : i32
    %c0_i32_0 = arith.constant 0 : i32
    %c0_i32_1 = arith.constant 0 : i32
    return %arg0, %c0_i32, %c0_i32_0 : i32, i32, i32
  }
  func.func @transform_4(%arg0: i32) -> (i32, i32) {
    %c0_i32 = arith.constant 0 : i32
    %c0_i32_0 = arith.constant 0 : i32
    %c0_i32_1 = arith.constant 0 : i32
    return %c0_i32, %c0_i32_0 : i32, i32
  }
  func.func @transform_5(%arg0: i32) -> (i32, i32) {
    %c0_i32 = arith.constant 0 : i32
    %c0_i32_0 = arith.constant 0 : i32
    %c0_i32_1 = arith.constant 0 : i32
    return %c0_i32, %c0_i32_0 : i32, i32
  }
  func.func @transform_6(%arg0: i32) -> (i32, i32) {
    %c0_i32 = arith.constant 0 : i32
    %c0_i32_0 = arith.constant 0 : i32
    %c0_i32_1 = arith.constant 0 : i32
    return %c0_i32, %c0_i32_0 : i32, i32
  }
  func.func @transform_7(%arg0: i32) -> (i32, i32) {
    %c0_i32 = arith.constant 0 : i32
    %c0_i32_0 = arith.constant 0 : i32
    %c0_i32_1 = arith.constant 0 : i32
    return %c0_i32, %c0_i32_0 : i32, i32
  }
  func.func @transform_8(%arg0: i32) -> (i32, i32) {
    %c0_i32 = arith.constant 0 : i32
    %c0_i32_0 = arith.constant 0 : i32
    %c0_i32_1 = arith.constant 0 : i32
    return %c0_i32, %c0_i32_0 : i32, i32
  }
  func.func @transform_9(%arg0: i32) -> (i32, i32) {
    %c0_i32 = arith.constant 0 : i32
    %c0_i32_0 = arith.constant 0 : i32
    %c0_i32_1 = arith.constant 0 : i32
    return %c0_i32, %c0_i32_0 : i32, i32
  }
  func.func @transform_10(%arg0: i32) -> (i32, i32) {
    %c0_i32 = arith.constant 0 : i32
    %c0_i32_0 = arith.constant 0 : i32
    %c0_i32_1 = arith.constant 0 : i32
    return %c0_i32, %c0_i32_0 : i32, i32
  }
  func.func @transform_11(%arg0: i32) -> (i32, i32) {
    %c0_i32 = arith.constant 0 : i32
    %c0_i32_0 = arith.constant 0 : i32
    %c0_i32_1 = arith.constant 0 : i32
    return %c0_i32, %c0_i32_0 : i32, i32
  }
  func.func @transform_12(%arg0: i32) -> (i32, i32) {
    %c0_i32 = arith.constant 0 : i32
    %c0_i32_0 = arith.constant 0 : i32
    %c0_i32_1 = arith.constant 0 : i32
    return %c0_i32, %c0_i32_0 : i32, i32
  }
  func.func @transform_13(%arg0: i32) -> (i32, i32) {
    %c0_i32 = arith.constant 0 : i32
    %c0_i32_0 = arith.constant 0 : i32
    %c0_i32_1 = arith.constant 0 : i32
    return %c0_i32, %c0_i32_0 : i32, i32
  }
  func.func @transform_14(%arg0: i32) -> (i32, i32) {
    %c0_i32 = arith.constant 0 : i32
    %c0_i32_0 = arith.constant 0 : i32
    %c0_i32_1 = arith.constant 0 : i32
    return %c0_i32, %c0_i32_0 : i32, i32
  }
  func.func @transform_15(%arg0: i32) -> (i32, i32) {
    %c0_i32 = arith.constant 0 : i32
    %c0_i32_0 = arith.constant 0 : i32
    %c0_i32_1 = arith.constant 0 : i32
    return %c0_i32, %c0_i32_0 : i32, i32
  }
  func.func @transform_16(%arg0: i32) -> (i32, i32) {
    %c0_i32 = arith.constant 0 : i32
    %c0_i32_0 = arith.constant 0 : i32
    %c0_i32_1 = arith.constant 0 : i32
    return %c0_i32, %c0_i32_0 : i32, i32
  }
  func.func @transform_17(%arg0: i32) -> (i32, i32) {
    %c0_i32 = arith.constant 0 : i32
    %c0_i32_0 = arith.constant 0 : i32
    %c0_i32_1 = arith.constant 0 : i32
    return %c0_i32, %c0_i32_0 : i32, i32
  }
}

</mosaic_0001>

<sc_bundles>
// kernel: kernel.4.cloned.1.call-start
scs
__scs_entry_jumppad:
0x0: {  	(pc) =	sbr.rel $0x88, $3  }
0x1: {  	(tag) =	ssettag $0x0;
	lr =	simm.s32 $0x1  }
0x2: {  	[smem:$0x3F92] =	sst lr;
	_ =	strace $0xD0000000  }
0x3: {  	_ = 	snop  }
0x4: {  	_ = 	snop  }
0x5: {  	_ = 	snop  }
0x6: {  	_ = 	snop  }
0x7: {  	_ = 	snop  }
__scs_overlays_trampoline_lowered:
0x8: {  	[smem:$0x3FA1] =	sst s0  }
0x9: {  	[smem:$0x3FA2] =	sst s1  }
0xa: {  	[smem:$0x3FA3] =	sst s2  }
0xb: {  	[smem:$0x3FA4] =	sst s3  }
0xc: {  	[smem:$0x3FA5] =	sst s4  }
0xd: {  	[smem:$0x3FA6] =	sst s5  }
0xe: {  	[smem:$0x3FA7] =	sst s6  }
0xf: {  	[smem:$0x3FA8] =	sst s7  }
0x10: {  	[smem:$0x3FA9] =	sst s8  }
0x11: {  	[smem:$0x3FAA] =	sst s9;
	s0 =	simm.s32 @!p0 $0x0  }
0x12: {  	s1 =	sld [smem:$0x3F90];
	s0 =	simm.s32 @p0 $0x1  }
0x13: {  	[smem:$0x3FAB] =	sst s0;
	s0 =	simm.s32 @!p1 $0x0  }
0x14: {  	s2 =	sld [smem:$0x3F8F];
	s0 =	simm.s32 @p1 $0x1  }
0x15: {  	[smem:$0x3FAC] =	sst s0;
	s0 =	simm.s32 @!p2 $0x0  }
0x16: {  	s3 =	sld [smem:$0x3FDB];
	s0 =	simm.s32 @p2 $0x1  }
0x17: {  	s4 =	simm.s32 $0x1BF5;
	[smem:$0x3FAE] =	sst s0  }
0x18: {  	s0 =	sld [smem:$0x3F91];
	_ =	swait.ge [sflag:s4], $0x0  }
0x19: {  	s7 =	sld [smem:$0x3F92]  }
0x1a: {  	s8 =	sadd.s32 $0xFFFFE003, lr  }
0x1b: {  	s9 =	sadd.s32 $0xFFFFFEF7, lr;
	s5 =	simm.s32 $0xFFFFFFFF;
	p2 =	slt.u32 s8, $0xFFFFF086  }
0x1c: {  	p1 =	slt.u32 s9, $0xF7A;
	s5 =	simm.s32 @!p2 $0x0  }
0x1d: {  	s5 =	simm.s32 @p1 $0x1;
	p0 =	seq.s32 s7, s2  }
0x1e: {  	s7 =	smul.u32 @!p0 $0xF7A, s2;
	p2 =	seq.s32 @!p0 s5, $0x0  }
0x1f: {  	s9 =	smul.u32 $0xF7A, s1;
	s8 =	simm.s32 @!p0 $0x1BF5;
	p2 =	por !p2, p0  }
0x20: {  	[sflag:s8] =	ssyncset.s32 @!p0 $0xFFFFF086;
	s6 =	sadd.s32 @!p0 s3, s7;
	s7 =	simm.s32 @!p0 $0x108  }
0x21: {  	s3 =	sadd.s32 s3, s9;
	s6 =	sadd.s32 @!p0 $0x88, s6;
	s7 =	simm.s32 @p2 $0x1082  }
0x22: {  	[simem:s7], [sflag:s8] =	dma.local @!p0 [hbm:s6], $0xF7A  }
0x23: {  	s9 =	sor.u32 $0xD0000000, s2;
	s6 =	simm.s32 $0x108;
	_ =	swait.ge @!p0 [sflag:s8], $0x0  }
0x24: {  	s3 =	sadd.s32 $0x88, s3;
	s6 =	simm.s32 @!p1 $0x1082;
	[sflag:s4] =	ssyncset.s32 $0xFFFFF086  }
0x25: {  	[simem:s6], [sflag:s4] =	dma.local [hbm:s3], $0xF7A  }
0x26: {  	[smem:$0x3F92] =	sst s1;
	(tag) =	ssettag s2;
	_ =	strace s9  }
0x27: {  	s1 =	sld [smem:$0x3FA2]  }
0x28: {  	s2 =	sld [smem:$0x3FA3]  }
0x29: {  	s4 =	sld [smem:$0x3FA5]  }
0x2a: {  	p0 =	seq.s32 s5, $0x0;
	s5 =	sld [smem:$0x3FA6]  }
0x2b: {  	s6 =	sld [smem:$0x3FA7]  }
0x2c: {  	s7 =	sld [smem:$0x3FA8]  }
0x2d: {  	s3 =	simm.s32 $0x108;
	s8 =	sld [smem:$0x3FA9]  }
0x2e: {  	s3 =	simm.s32 @!p0 $0x1082;
	s9 =	sld [smem:$0x3FAA]  }
0x2f: {  	lr =	sadd.s32 s0, s3;
	s0 =	sld [smem:$0x3FA1]  }
0x30: {  	s3 =	sld [smem:$0x3FA4]  }
0x31: {  	[smem:$0x3FAD] =	sst s10  }
0x32: {  	s10 =	sld [smem:$0x3FAB];
	_ =	sdelay $0x3  }
0x33: {  	p0 =	seq.s32 s10, $0x1;
	s10 =	sld [smem:$0x3FAD];
	_ =	sdelay $0x3  }
0x34: {  	[smem:$0x3FAD] =	sst s10  }
0x35: {  	s10 =	sld [smem:$0x3FAC];
	_ =	sdelay $0x3  }
0x36: {  	p1 =	seq.s32 s10, $0x1;
	s10 =	sld [smem:$0x3FAD];
	_ =	sdelay $0x3  }
0x37: {  	[smem:$0x3FAD] =	sst s10  }
0x38: {  	s10 =	sld [smem:$0x3FAE]  }
0x39: {  	_ = 	snop;
	(pc) =	sbr.ind lr, $3  }
0x3a: {  	_ = 	snop  }
0x3b: {  	_ = 	snop  }
0x3c: {  	p2 =	seq.s32 s10, $0x1;
	s10 =	sld [smem:$0x3FAD]  }
0x3d: {  	_ =	shalt  }
0x3e: {  	_ =	shalt  }
0x3f: {  	_ =	shalt  }
0x40: {  	_ =	shalt  }
0x41: {  	_ =	shalt  }
0x42: {  	_ =	shalt  }
0x43: {  	_ =	shalt  }
0x44: {  	_ =	shalt  }
0x45: {  	_ =	shalt  }
0x46: {  	_ =	shalt  }
0x47: {  	_ =	shalt  }
0x48: {  	_ =	shalt  }
0x49: {  	_ =	shalt  }
0x4a: {  	_ =	shalt  }
0x4b: {  	_ =	shalt  }
0x4c: {  	_ =	shalt  }
0x4d: {  	_ =	shalt  }
0x4e: {  	_ =	shalt  }
0x4f: {  	_ =	shalt  }
0x50: {  	_ =	shalt  }
0x51: {  	_ =	shalt  }
0x52: {  	_ =	shalt  }
0x53: {  	_ =	shalt  }
0x54: {  	_ =	shalt  }
0x55: {  	_ =	shalt  }
0x56: {  	_ =	shalt  }
0x57: {  	_ =	shalt  }
0x58: {  	_ =	shalt  }
0x59: {  	_ =	shalt  }
0x5a: {  	_ =	shalt  }
0x5b: {  	_ =	shalt  }
0x5c: {  	_ =	shalt  }
0x5d: {  	_ =	shalt  }
0x5e: {  	_ =	shalt  }
0x5f: {  	_ =	shalt  }
0x60: {  	_ =	shalt  }
0x61: {  	_ =	shalt  }
0x62: {  	_ =	shalt  }
0x63: {  	_ =	shalt  }
0x64: {  	_ =	shalt  }
0x65: {  	_ =	shalt  }
0x66: {  	_ =	shalt  }
0x67: {  	_ =	shalt  }
0x68: {  	_ =	shalt  }
0x69: {  	_ =	shalt  }
0x6a: {  	_ =	shalt  }
0x6b: {  	_ =	shalt  }
0x6c: {  	_ =	shalt  }
0x6d: {  	_ =	shalt  }
0x6e: {  	_ =	shalt  }
0x6f: {  	_ =	shalt  }
0x70: {  	_ =	shalt  }
0x71: {  	_ =	shalt  }
0x72: {  	_ =	shalt  }
0x73: {  	_ =	shalt  }
0x74: {  	_ =	shalt  }
0x75: {  	_ =	shalt  }
0x76: {  	_ =	shalt  }
0x77: {  	_ =	shalt  }
0x78: {  	_ =	shalt  }
0x79: {  	_ =	shalt  }
0x7a: {  	_ =	shalt  }
0x7b: {  	_ =	shalt  }
0x7c: {  	_ =	shalt  }
0x7d: {  	_ =	shalt  }
0x7e: {  	_ =	shalt  }
0x7f: {  	_ =	shalt  }
0x80: {  	_ =	shalt  }
0x81: {  	_ =	shalt  }
0x82: {  	_ =	shalt  }
0x83: {  	_ =	shalt  }
0x84: {  	_ =	shalt  }
0x85: {  	_ =	shalt  }
0x86: {  	_ =	shalt  }
0x87: {  	_ =	shalt  }
.Lfunc_end0:
.L_simem_size_0:
called_computation_lowered:
.L_overlay_start_0:
0x88: {  	s2 =	sld [smem:$0x3FD9]  }
0x89: {  	s3 =	sld [smem:$0x3FFE];
	_ =	sdelay $0x1  }
0x8a: {  	s1 =	srdreg.scid  }
0x8b: {  	s0 =	sand.u32 $0x1, s1  }
0x8c: {  	s17 =	sshll.u32 s0, $0xA;
	s2 =	sadd.s32 s3, s2  }
0x8d: {  	s2 =	sadd.s32 s2, s17  }
0x8e: {  	[smem:$0x3FB9] =	sst s2  }
0x8f: {  	_ = 	snop  }
0x90: {  	s2 =	sld [smem:$0x3FD0];
	(tm) =	ssettm $0x1  }
0x91: {  	s18 =	sld [smem:$0x3FFB];
	_ =	sdelay $0x3  }
0x92: {  	_ =	strace s18  }
0x93: {  	s3 =	sld [smem:$0x3FFC];
	_ =	sdelay $0x3  }
0x94: {  	_ =	strace s3  }
0x95: {  	s3 =	sld [smem:$0x3FFD];
	_ =	sdelay $0x3  }
0x96: {  	_ =	strace s3  }
0x97: {  	_ =	strace $0x8FFFFFFF  }
0x98: {  	s19 =	sld [smem:$0x3FDB];
	_ =	sdelay $0x1  }
0x99: {  	s4 =	simm.s32 $_scs_section_size  }
0x9a: {  	s5 =	simm.s32 $_size__tile_overlayer_lowered;
	s6 =	simm.s32 $_tile_overlayer_lowered  }
0x9b: {  	s22 =	simm.s32 $0x1BFF;
	s21 =	sshll.u32 s6, $0x1;
	s3 =	sadd.s32 s4, s19  }
0x9c: {  	s7 =	simm.s32 $0x0;
	s20 =	sshll.u32 s5, $0x1;
	s5 =	sadd.s32 s21, s3  }
0x9d: {  	[timem:s7], [sflag:s22] =	dma.local [hbm:s5], s20  }
0x9e: {  	_ =	swait.ge [sflag:s22], s20  }
0x9f: {  	s4 =	ssub.s32 $0x0, s20;
	[sflag:s22] =	ssyncset.done $0x0  }
0xa0: {  	[sflag:s22] =	ssyncadd.s32 s4;
	_ =	sdelay $0x1  }
0xa1: {  	s23 =	simm.s32 $0x1B8B  }
0xa2: {  	_ =	swait.ge [sflag:s23], $0x1  }
0xa3: {  	[sflag:s23] =	ssyncset.done $0x0  }
0xa4: {  	s25 =	simm.s32 $0x1B8E;
	s24 =	sld [smem:$0x3FFE];
	[sflag:s23] =	ssyncadd.s32 $0xFFFFFFFF  }
0xa5: {  	s26 =	simm.s32 $execute0_lowered;
	[smem:$0x3FD2] =	sst s25  }
0xa6: {  	s5 =	sshll.u32 s26, $0x1;
	_ =	strace $0x80000046;
	[dreg:$0x1] =	wrdreg $0xFFFFFFFF  }
0xa7: {  	s28 =	simm.s32 $_size_execute0_lowered;
	s3 =	sadd.s32 s3, s5;
	[dreg:$0x0] =	wrdreg $0x0  }
0xa8: {  	s5 =	sshll.u32 s28, $0x1;
	[dreg:$0x2] =	wrdreg s3  }
0xa9: {  	[dreg:$0x3] =	wrdreg s5  }
0xaa: {  	[dreg:$0x4] =	wrdreg $0xC0  }
0xab: {  	_ =	task [dreg:s7], $0x5FFFF  }
0xac: {  	[dreg:$0x1] =	wrdreg $0xFFFFFFFF  }
0xad: {  	[dreg:$0x0] =	wrdreg $0x60  }
0xae: {  	[dreg:$0x2] =	wrdreg s2  }
0xaf: {  	[dreg:$0x3] =	wrdreg s24  }
0xb0: {  	[dreg:$0x4] =	wrdreg $0x9  }
0xb1: {  	_ =	task.clear_ibuf [dreg:s7], $0x5FFFF;
	_ =	strace $0x90000046  }
0xb2: {  	s29 =	simm.s32 $0x9;
	_ =	strace $0x80000048  }
0xb3: {  	_ =	swait.ge [sflag:s29], $0x1  }
0xb4: {  	[sflag:s29] =	ssyncadd.s32 $0xFFFFFFFF  }
0xb5: {  	_ =	strace $0x90000048  }
0xb6: {  	_ =	sfence  }
0xb7: {  	s30 =	sld [smem:$0x0];
	_ =	sdelay $0x2  }
0xb8: {  	s31 =	sshll.u32 s1, $0xD;
	s1 =	sshrl.u32 s1, $0x2  }
0xb9: {  	s3 =	sand.u32 $0x4000, s31;
	s1 =	sadd.s32 s1, s30  }
0xba: {  	s0 =	sor.u32 s3, s0;
	s1 =	sshll.u32 s1, $0x11  }
0xbb: {  	s0 =	sor.u32 s1, s0  }
0xbc: {  	s0 =	sadd.s32 $0x8F2B, s0  }
0xbd: {  	[sflag:s0] =	ssyncadd.remote.s32 $0x1  }
0xbe: {  	_ =	sfence.sel $0xFFFF  }
0xbf: {  	[dreg:$0x0] =	wrdreg $0xFFFFFFFF;
	(pc) =	sbr.abs _section_cstart, $3  }
0xc0: {  	[dreg:$0x1] =	wrdreg $0xFFFFFFFF  }
0xc1: {  	_ =	task.clear_ibuf [dreg:s7], $0x2FFFF;
	_ =	strace $0x9FFFFFFF  }
0xc2: {  	(tm) =	ssettm $0x7FFFFFFF  }
0xc3: {  	_ =	shalt  }
tec
execute0_lowered:
.L_overlay_start_1:
0x0: {  	(tag) =	ssettag $0x1  }
0x1: {  	s1 =	srdreg.scid;
	s2 =	rddreg [dreg:$0x0]  }
0x2: {  	s0 =	stileid.u32;
	s5 =	rddreg [dreg:$0x1];
	s3 =	simm.s32 $0x0  }
0x3: {  	s7 =	simm.s32 $0x1;
	s4 =	sand.u32 $0x1, s1;
	s30 =	sshll.u32 s0, $0x1  }
0x4: {  	s8 =	simm.s32 $0x1000;
	s9 =	simm.s32 $0xD380;
	s1 =	sor.u32 s4, s30  }
0x5: {  	[smem:$0x7FF] =	sst s3;
	s4 =	ssub.s32 $0x2, s4;
	s6 =	smul.u32 $0x186A, s1  }
0x6: {  	s10 =	simm.s32 $0x0;
	s1 =	rddreg [dreg:$0x2];
	s31 =	sshrl.u32 s4, $0x1  }
0x7: {  	_ =	strace $0x80000047;
	s5 =	sadd.s32 s6, s5;
	s6 =	ssub.s32 s4, s31  }
0x8: {  	s4 =	sadd.s32 $0x2E00, s5;
	s5 =	sadd.s32 $0x33C00, s5;
	s6 =	smax.u32 s6, $0x1  }
.LBB2_1:
0x9: {  	[tilespmem:s3], [sflag:$0x1] =	stream.linear.gather [hbm4b:s2+s3], $0x1000, $0x38;
	[tilespmem:$0x19700] =	vst v63  }
0xa: {  	_ =	swait.ge [sflag:s7], $0x1000  }
0xb: {  	[sflag:s7] =	ssyncset.done $0x0  }
0xc: {  	[sflag:s7] =	ssyncadd.s32 $0xFFFFF000  }
0xd: {  	[tilespmem:s8], [sflag:$0x1] =	stream.linear.gather [hbm4b:s4+s3], $0xC350, $0x38;
	[tilespmem:$0x19700] =	vst v63  }
0xe: {  	_ =	swait.ge [sflag:s7], $0xC350  }
0xf: {  	[sflag:s7] =	ssyncset.done $0x0  }
0x10: {  	s11 =	simm.s32 $0x0;
	[sflag:s7] =	ssyncadd.s32 $0xFFFF3CB0  }
0x11: {  	v0 =	vld [tilespmem:s11+$0x1000];
	_ =	sdelay $0x7  }
0x12: {  	s12 =	simm.s32 $0x10;
	s13 =	simm.s32 $0x80;
	v0 =	vld.idx.msk [tilespmem:v0+s3+$0x0], $0xffff  }
.LBB2_2:
0x13: {  	p0 =	sne.s32 s13, $0x30D00;
	v1 =	vld [tilespmem:s12+$0x1000];
	_ =	sdelay $0x3  }
.Ltmp0:
0x14: {  	(pc) =	sbr.rel @p0 .LBB2_2-.Ltmp0, $2  }
0x15: {  	[tilespmem:s11+$0xD380] =	vst v0;
	s11 =	smov.u32 s12;
	_ =	sdelay $0x2  }
0x16: {  	s12 =	sshra.s32 s13, $0x2;
	s13 =	sadd.s32 $0x40, s13;
	v0 =	vld.idx.msk [tilespmem:v1+s3+$0x0], $0xffff  }
0x17: {  	v1 =	vld [tilespmem:s12+$0x1000];
	_ =	sdelay $0x6  }
0x18: {  	[tilespmem:s11+$0xD380] =	vst v0  }
0x19: {  	v0 =	vld.idx.msk [tilespmem:v1+s3+$0x0], $0xffff;
	_ =	sdelay $0x2  }
0x1a: {  	s10 =	sadd.s32 $0x1, s10  }
0x1b: {  	p0 =	sne.s32 s10, s6  }
.Ltmp1:
0x1c: {  	[tilespmem:s12+$0xD380] =	vst v0;
	(pc) =	sbr.rel @p0 .LBB2_1-.Ltmp1, $4  }
0x1d: {  	[hbm4b:s5+s3] =	stream.linear.scatter [tilespmem:s9], [sflag:$0x1], $0xC350, $0x38;
	[tilespmem:$0x19700] =	vst v63  }
0x1e: {  	_ =	swait.ge [sflag:s7], $0xC350  }
0x1f: {  	[sflag:s7] =	ssyncset.done $0x0  }
0x20: {  	[sflag:s7] =	ssyncadd.s32 $0xFFFF3CB0  }
0x21: {  	_ =	sfence.sel $0x180000  }
0x22: {  	[bflag:$0x0] =	sbarrier.arrive $0xFFFF  }
0x23: {  	p0 =	sne.s32 s0, $0x0;
	_ =	strace $0x90000047  }
0x24: {  	s0 =	sadd.s32 @!p0 $0x100000, s1;
	[bflag:$0x2] =	sbarrier.arrive $0xFFFF  }
0x25: {  	[sflag:s0] =	ssyncadd.tile.s32 @!p0 $0x1;
	_ =	shalt  }
.Lfunc_end2:
_tile_overlayer_lowered:
.L_overlay_start_2:
0x26: {  	(tag) =	ssettag $0x2  }
0x27: {  	s0 =	rddreg [dreg:$0x0];
	s2 =	stileid.u32  }
0x28: {  	s1 =	rddreg [dreg:$0x1];
	p0 =	sne.s32 s2, $0x0  }
0x29: {  	s3 =	rddreg [dreg:$0x2];
	[bflag:$0x3] =	sbarrier.arrive $0xFFFF;
	s2 =	simm.s32 @!p0 $0x1C01  }
0x2a: {  	[timem:s3], [sflag:s2] =	dma.local @!p0 [hbm:s0], s1  }
0x2b: {  	s0 =	simm.s32 @!p0 $0x1  }
0x2c: {  	_ =	swait.ge @!p0 [sflag:s0], s1  }
0x2d: {  	s1 =	ssub.s32 @!p0 $0x0, s1;
	[sflag:s0] =	ssyncset.done @!p0 $0x0  }
0x2e: {  	[sflag:s0] =	ssyncadd.s32 @!p0 s1  }
0x2f: {  	[bflag:$0x3] =	sbarrier.arrive $0xFFFF  }
0x30: {  	_ =	shalt  }

</sc_bundles>
